<compile_context>
chip_gen: v7x
topology: tpu7x:2x2x1
jax: 0.10.2.dev20260603
libtpu: 0.0.44.dev20260713+nightly
codegen_flags: <defaults>
</compile_context>

<pallas_src>
import functools

import jax
import jax.numpy as jnp
from jax import lax
from jax.experimental import pallas as pl
from jax.experimental.pallas import tpu as pltpu
from jax.experimental.pallas import tpu_sc as plsc

_NC = 2
_NS = 16
_NW = _NC * _NS

_CHUNK = 1664


def _sc_gather(table, idx):
    n = idx.shape[0]
    d = table.shape[1]
    per_w = n // _NW
    n_chunks = per_w // _CHUNK
    n_pairs = n_chunks // 2

    mesh = plsc.VectorSubcoreMesh(core_axis_name="c", subcore_axis_name="s")

    @functools.partial(
        pl.kernel,
        mesh=mesh,
        out_type=jax.ShapeDtypeStruct((n, d), jnp.float32),
        scratch_types=[
            pltpu.VMEM((_CHUNK,), jnp.int32),
            pltpu.VMEM((_CHUNK,), jnp.int32),
            pltpu.VMEM((_CHUNK, d), jnp.float32),
            pltpu.VMEM((_CHUNK, d), jnp.float32),
            pltpu.SemaphoreType.DMA,
            pltpu.SemaphoreType.DMA,
            pltpu.SemaphoreType.DMA,
            pltpu.SemaphoreType.DMA,
        ],
        compiler_params=pltpu.CompilerParams(use_tc_tiling_on_sc=False),
    )
    def gather_kernel(table_hbm, idx_hbm, out_hbm,
                      idx0, idx1, rows0, rows1, sg0, sg1, sw0, sw1):
        wid = lax.axis_index("s") * _NC + lax.axis_index("c")
        base = wid * per_w

        def start_gather(i, idx_v, rows_v, sem):
            off = base + i * _CHUNK
            pltpu.sync_copy(idx_hbm.at[pl.ds(off, _CHUNK)], idx_v)
            pltpu.async_copy(table_hbm.at[idx_v], rows_v, sem)

        def drain_gather(rows_v, sem):
            pltpu.make_async_copy(table_hbm.at[pl.ds(0, _CHUNK)], rows_v, sem).wait()

        def start_write(i, rows_v, sem):
            pltpu.async_copy(rows_v, out_hbm.at[pl.ds(base + i * _CHUNK, _CHUNK)], sem)

        def drain_write(rows_v, sem):
            pltpu.make_async_copy(rows_v, out_hbm.at[pl.ds(base, _CHUNK)], sem).wait()

        start_gather(0, idx0, rows0, sg0)

        def body(j, carry):
            a = 2 * j
            start_gather(a + 1, idx1, rows1, sg1)
            drain_gather(rows0, sg0)
            start_write(a, rows0, sw0)
            @pl.when(j < n_pairs - 1)
            def _():
                drain_write(rows0, sw0)
                start_gather(a + 2, idx0, rows0, sg0)
            drain_gather(rows1, sg1)
            start_write(a + 1, rows1, sw1)
            drain_write(rows1, sw1)
            return carry

        lax.fori_loop(0, n_pairs, body, 0)
        drain_write(rows0, sw0)

    return gather_kernel(table, idx)


def _tc_dense(x, w, b):
    bsz, k = x.shape
    m = w.shape[1]
    bm = 1024

    def dense_kernel(x_ref, w_ref, b_ref, o_ref):
        acc = jnp.dot(x_ref[...], w_ref[...], preferred_element_type=jnp.float32)
        o_ref[...] = jnp.maximum(acc + b_ref[...], 0.0)

    return pl.pallas_call(
        dense_kernel,
        grid=(bsz // bm,),
        in_specs=[
            pl.BlockSpec((bm, k), lambda i: (i, 0)),
            pl.BlockSpec((k, m), lambda i: (0, 0)),
            pl.BlockSpec((1, m), lambda i: (0, 0)),
        ],
        out_specs=pl.BlockSpec((bm, m), lambda i: (i, 0)),
        out_shape=jax.ShapeDtypeStruct((bsz, m), jnp.float32),
    )(x, w, b)


def kernel(input, table, W, b):
    bsz, f = input.shape
    d = table.shape[1]
    idx = lax.optimization_barrier(input.reshape(-1).astype(jnp.int32))
    gathered = _sc_gather(table, idx)
    x = gathered.reshape(bsz, f * d)
    return _tc_dense(x, W, b.reshape(1, -1))

# --- scband reference (transcript-rebuilt; emitter-appended) ---
"""Pipeline reference for scband-bid-embedding-layer-12807592477139 (READ-ONLY COPY).

The authoritative reference and input builder live on the scoring server;
editing this copy changes nothing except your own understanding.
"""

import jax, jax.numpy as jnp
import numpy as np

MAX_DEN = 580000
MIDDLE = 30
FEATURES = 26
EMBED_DIM = 32
BATCH = 16384


def setup_inputs(seed: int = 0) -> dict:
    key = jax.random.key(seed)
    k1, k2, k3, k4 = jax.random.split(key, 4)
    input_idx = jax.random.randint(k1, (BATCH, FEATURES), 0, MAX_DEN, dtype=jnp.int64 if jax.config.jax_enable_x64 else jnp.int32)
    table = jax.random.normal(k2, (MAX_DEN, EMBED_DIM), dtype=jnp.float32) * 0.05
    W = jax.random.normal(k3, (FEATURES * EMBED_DIM, MIDDLE), dtype=jnp.float32) * (1.0 / np.sqrt(FEATURES * EMBED_DIM))
    b = jnp.zeros((MIDDLE,), dtype=jnp.float32)
    return {"input": input_idx, "table": table, "W": W, "b": b}


def reference(input, table, W, b):
    # embedding lookup: [B, F] -> [B, F, D]
    x = jnp.take(table, input, axis=0)
    # reshape: [B, F*D]
    x = x.reshape((x.shape[0], FEATURES * EMBED_DIM))
    # dense + relu: [B, 30]
    x = jnp.maximum(x @ W + b, 0.0)
    return x

if __name__ == "__main__":
    import jax
    _d = setup_inputs()
    print(jax.jit(kernel)(*tuple(_d.values())))

</pallas_src>

<mosaic_0001>
#map = affine_map<(d0, d1) -> (0, 0)>
#map1 = affine_map<(d0, d1) -> (0)>
module attributes {stable_mosaic.version = 14 : i64} {
  func.func @gather_kernel(%arg0: i32, %arg1: i32, %arg2: memref<580000x32xf32, #tpu.memory_space<hbm>>, %arg3: memref<425984xi32, #tpu.memory_space<hbm>>, %arg4: memref<425984x32xf32, #tpu.memory_space<hbm>>, %arg5: memref<1664xi32, #tpu.memory_space<vmem>>, %arg6: memref<1664xi32, #tpu.memory_space<vmem>>, %arg7: memref<1664x32xf32, #tpu.memory_space<vmem>>, %arg8: memref<1664x32xf32, #tpu.memory_space<vmem>>, %arg9: memref<!tpu.dma_semaphore, #tpu.memory_space<semaphore_mem>>, %arg10: memref<!tpu.dma_semaphore, #tpu.memory_space<semaphore_mem>>, %arg11: memref<!tpu.dma_semaphore, #tpu.memory_space<semaphore_mem>>, %arg12: memref<!tpu.dma_semaphore, #tpu.memory_space<semaphore_mem>>) attributes {dimension_semantics = [#tpu.dimension_semantics<core_parallel>, #tpu.dimension_semantics<subcore_parallel>], iteration_bounds = array<i64: 2, 16>, scalar_prefetch = 0 : i64, scratch_operands = 8 : i64, tpu.core_type = #tpu.core_type<sc_vector_subcore>, window_params = [{transform_indices = #map}, {transform_indices = #map1}, {transform_indices = #map}]} {
    %mul3A = arith.constant 2 : i32
    %mul3A_0 = arith.muli %arg1, %mul3A : i32
    %add3A = arith.addi %mul3A_0, %arg0 : i32
    %mul3A_1 = arith.constant 13312 : i32
    %mul3A_2 = arith.muli %add3A, %mul3A_1 : i32
    %add3A_3 = arith.constant 0 : i32
    %add3A_4 = arith.addi %mul3A_2, %add3A_3 : i32
    "tpu.region"() ({
      %run_scoped3A = tpu.sem_alloc : memref<!tpu.dma_semaphore, #tpu.memory_space<semaphore_mem>>
      %dma_start3A_15 = tpu.memref_slice %arg3[%add3A_4] : memref<425984xi32, #tpu.memory_space<hbm>> -> memref<1664xi32, #tpu.memory_space<hbm>>
      %dma_start3A_16 = tpu.memref_slice %arg3[%add3A_4] : memref<425984xi32, #tpu.memory_space<hbm>> -> memref<1664xi32, #tpu.memory_space<hbm>>
      tpu.enqueue_dma source(%dma_start3A_16 : memref<1664xi32, #tpu.memory_space<hbm>>) target(%arg5 : memref<1664xi32, #tpu.memory_space<vmem>>) target_semaphore(%run_scoped3A : memref<!tpu.dma_semaphore, #tpu.memory_space<semaphore_mem>>)
      %dma_wait3A_17 = tpu.memref_slice %arg3[%add3A_4] : memref<425984xi32, #tpu.memory_space<hbm>> -> memref<1664xi32, #tpu.memory_space<hbm>>
      %dma_wait3A_18 = tpu.memref_slice %arg3[%add3A_4] : memref<425984xi32, #tpu.memory_space<hbm>> -> memref<1664xi32, #tpu.memory_space<hbm>>
      tpu.wait_dma2 semaphore(%run_scoped3A : memref<!tpu.dma_semaphore, #tpu.memory_space<semaphore_mem>>) src(%dma_wait3A_18 : memref<1664xi32, #tpu.memory_space<hbm>>) dst(%arg5 : memref<1664xi32, #tpu.memory_space<vmem>>)
      tpu.yield
    }) : () -> ()
    %dma_start3A = arith.constant 0 : i32
    %dma_start3A_5 = arith.constant 0 : i32
    %dma_start3A_6 = tpu.memref_slice %arg2[%dma_start3A, %dma_start3A_5] : memref<580000x32xf32, #tpu.memory_space<hbm>> -> memref<580000x32xf32, #tpu.memory_space<hbm>>
    tpu.enqueue_indirect_dma source(%dma_start3A_6 : memref<580000x32xf32, #tpu.memory_space<hbm>>) target(%arg7 : memref<1664x32xf32, #tpu.memory_space<vmem>>) offsets(%arg5 : memref<1664xi32, #tpu.memory_space<vmem>>) semaphore(%arg9 : memref<!tpu.dma_semaphore, #tpu.memory_space<semaphore_mem>>)
    %scan3A = arith.constant 0 : i32
    %scan3A_7 = arith.constant 0 : i32
    %scan3A_8 = arith.constant 4 : i32
    %scan3A_9 = arith.addi %scan3A_7, %scan3A_8 : i32
    %scan3A_10 = arith.constant 1 : i32
    scf.for %scan3A_15 = %scan3A_7 to %scan3A_9 step %scan3A_10  : i32 {
      %mul3A_16 = arith.constant 2 : i32
      %mul3A_17 = arith.muli %mul3A_16, %scan3A_15 : i32
      %add3A_18 = arith.constant 1 : i32
      %add3A_19 = arith.addi %mul3A_17, %add3A_18 : i32
      %mul3A_20 = arith.constant 1664 : i32
      %mul3A_21 = arith.muli %add3A_19, %mul3A_20 : i32
      %add3A_22 = arith.addi %mul3A_2, %mul3A_21 : i32
      "tpu.region"() ({
        %run_scoped3A = tpu.sem_alloc : memref<!tpu.dma_semaphore, #tpu.memory_space<semaphore_mem>>
        %dma_start3A_60 = tpu.memref_slice %arg3[%add3A_22] : memref<425984xi32, #tpu.memory_space<hbm>> -> memref<1664xi32, #tpu.memory_space<hbm>>
        %dma_start3A_61 = tpu.memref_slice %arg3[%add3A_22] : memref<425984xi32, #tpu.memory_space<hbm>> -> memref<1664xi32, #tpu.memory_space<hbm>>
        tpu.enqueue_dma source(%dma_start3A_61 : memref<1664xi32, #tpu.memory_space<hbm>>) target(%arg6 : memref<1664xi32, #tpu.memory_space<vmem>>) target_semaphore(%run_scoped3A : memref<!tpu.dma_semaphore, #tpu.memory_space<semaphore_mem>>)
        %dma_wait3A_62 = tpu.memref_slice %arg3[%add3A_22] : memref<425984xi32, #tpu.memory_space<hbm>> -> memref<1664xi32, #tpu.memory_space<hbm>>
        %dma_wait3A_63 = tpu.memref_slice %arg3[%add3A_22] : memref<425984xi32, #tpu.memory_space<hbm>> -> memref<1664xi32, #tpu.memory_space<hbm>>
        tpu.wait_dma2 semaphore(%run_scoped3A : memref<!tpu.dma_semaphore, #tpu.memory_space<semaphore_mem>>) src(%dma_wait3A_63 : memref<1664xi32, #tpu.memory_space<hbm>>) dst(%arg6 : memref<1664xi32, #tpu.memory_space<vmem>>)
        tpu.yield
      }) : () -> ()
      %dma_start3A_23 = arith.constant 0 : i32
      %dma_start3A_24 = arith.constant 0 : i32
      %dma_start3A_25 = tpu.memref_slice %arg2[%dma_start3A_23, %dma_start3A_24] : memref<580000x32xf32, #tpu.memory_space<hbm>> -> memref<580000x32xf32, #tpu.memory_space<hbm>>
      tpu.enqueue_indirect_dma source(%dma_start3A_25 : memref<580000x32xf32, #tpu.memory_space<hbm>>) target(%arg8 : memref<1664x32xf32, #tpu.memory_space<vmem>>) offsets(%arg6 : memref<1664xi32, #tpu.memory_space<vmem>>) semaphore(%arg10 : memref<!tpu.dma_semaphore, #tpu.memory_space<semaphore_mem>>)
      %dma_wait3A_26 = arith.constant 0 : i32
      %dma_wait3A_27 = arith.constant 0 : i32
      %dma_wait3A_28 = tpu.memref_slice %arg2[%dma_wait3A_26, %dma_wait3A_27] : memref<580000x32xf32, #tpu.memory_space<hbm>> -> memref<1664x32xf32, #tpu.memory_space<hbm>>
      %dma_wait3A_29 = arith.constant 0 : i32
      %dma_wait3A_30 = arith.constant 0 : i32
      %dma_wait3A_31 = tpu.memref_slice %arg2[%dma_wait3A_29, %dma_wait3A_30] : memref<580000x32xf32, #tpu.memory_space<hbm>> -> memref<1664x32xf32, #tpu.memory_space<hbm>>
      tpu.wait_dma2 semaphore(%arg9 : memref<!tpu.dma_semaphore, #tpu.memory_space<semaphore_mem>>) src(%dma_wait3A_31 : memref<1664x32xf32, #tpu.memory_space<hbm>>) dst(%arg7 : memref<1664x32xf32, #tpu.memory_space<vmem>>)
      %mul3A_32 = arith.constant 1664 : i32
      %mul3A_33 = arith.muli %mul3A_17, %mul3A_32 : i32
      %add3A_34 = arith.addi %mul3A_2, %mul3A_33 : i32
      %dma_start3A_35 = arith.constant 0 : i32
      %dma_start3A_36 = tpu.memref_slice %arg4[%add3A_34, %dma_start3A_35] : memref<425984x32xf32, #tpu.memory_space<hbm>> -> memref<1664x32xf32, #tpu.memory_space<hbm>>
      %dma_start3A_37 = arith.constant 0 : i32
      %dma_start3A_38 = tpu.memref_slice %arg4[%add3A_34, %dma_start3A_37] : memref<425984x32xf32, #tpu.memory_space<hbm>> -> memref<1664x32xf32, #tpu.memory_space<hbm>>
      tpu.enqueue_dma source(%arg7 : memref<1664x32xf32, #tpu.memory_space<vmem>>) target(%dma_start3A_38 : memref<1664x32xf32, #tpu.memory_space<hbm>>) target_semaphore(%arg11 : memref<!tpu.dma_semaphore, #tpu.memory_space<semaphore_mem>>)
      %lt3A = arith.constant 3 : i32
      %lt3A_39 = arith.cmpi slt, %scan3A_15, %lt3A : i32
      %convert_element_type3A = arith.extui %lt3A_39 : i1 to i32
      %cond3A = arith.constant 0 : i32
      %cond3A_40 = arith.cmpi ne, %convert_element_type3A, %cond3A : i32
      scf.if %cond3A_40 {
        %dma_wait3A_60 = arith.constant 0 : i32
        %dma_wait3A_61 = tpu.memref_slice %arg4[%mul3A_2, %dma_wait3A_60] : memref<425984x32xf32, #tpu.memory_space<hbm>> -> memref<1664x32xf32, #tpu.memory_space<hbm>>
        %dma_wait3A_62 = arith.constant 0 : i32
        %dma_wait3A_63 = tpu.memref_slice %arg4[%mul3A_2, %dma_wait3A_62] : memref<425984x32xf32, #tpu.memory_space<hbm>> -> memref<1664x32xf32, #tpu.memory_space<hbm>>
        tpu.wait_dma2 semaphore(%arg11 : memref<!tpu.dma_semaphore, #tpu.memory_space<semaphore_mem>>) src(%arg7 : memref<1664x32xf32, #tpu.memory_space<vmem>>) dst(%dma_wait3A_63 : memref<1664x32xf32, #tpu.memory_space<hbm>>)
        %add3A_64 = arith.constant 2 : i32
        %add3A_65 = arith.addi %mul3A_17, %add3A_64 : i32
        %mul3A_66 = arith.constant 1664 : i32
        %mul3A_67 = arith.muli %add3A_65, %mul3A_66 : i32
        %add3A_68 = arith.addi %mul3A_2, %mul3A_67 : i32
        "tpu.region"() ({
          %run_scoped3A = tpu.sem_alloc : memref<!tpu.dma_semaphore, #tpu.memory_space<semaphore_mem>>
          %dma_start3A_72 = tpu.memref_slice %arg3[%add3A_68] : memref<425984xi32, #tpu.memory_space<hbm>> -> memref<1664xi32, #tpu.memory_space<hbm>>
          %dma_start3A_73 = tpu.memref_slice %arg3[%add3A_68] : memref<425984xi32, #tpu.memory_space<hbm>> -> memref<1664xi32, #tpu.memory_space<hbm>>
          tpu.enqueue_dma source(%dma_start3A_73 : memref<1664xi32, #tpu.memory_space<hbm>>) target(%arg5 : memref<1664xi32, #tpu.memory_space<vmem>>) target_semaphore(%run_scoped3A : memref<!tpu.dma_semaphore, #tpu.memory_space<semaphore_mem>>)
          %dma_wait3A_74 = tpu.memref_slice %arg3[%add3A_68] : memref<425984xi32, #tpu.memory_space<hbm>> -> memref<1664xi32, #tpu.memory_space<hbm>>
          %dma_wait3A_75 = tpu.memref_slice %arg3[%add3A_68] : memref<425984xi32, #tpu.memory_space<hbm>> -> memref<1664xi32, #tpu.memory_space<hbm>>
          tpu.wait_dma2 semaphore(%run_scoped3A : memref<!tpu.dma_semaphore, #tpu.memory_space<semaphore_mem>>) src(%dma_wait3A_75 : memref<1664xi32, #tpu.memory_space<hbm>>) dst(%arg5 : memref<1664xi32, #tpu.memory_space<vmem>>)
          tpu.yield
        }) : () -> ()
        %dma_start3A_69 = arith.constant 0 : i32
        %dma_start3A_70 = arith.constant 0 : i32
        %dma_start3A_71 = tpu.memref_slice %arg2[%dma_start3A_69, %dma_start3A_70] : memref<580000x32xf32, #tpu.memory_space<hbm>> -> memref<580000x32xf32, #tpu.memory_space<hbm>>
        tpu.enqueue_indirect_dma source(%dma_start3A_71 : memref<580000x32xf32, #tpu.memory_space<hbm>>) target(%arg7 : memref<1664x32xf32, #tpu.memory_space<vmem>>) offsets(%arg5 : memref<1664xi32, #tpu.memory_space<vmem>>) semaphore(%arg9 : memref<!tpu.dma_semaphore, #tpu.memory_space<semaphore_mem>>)
      } else {
      }
      %dma_wait3A_41 = arith.constant 0 : i32
      %dma_wait3A_42 = arith.constant 0 : i32
      %dma_wait3A_43 = tpu.memref_slice %arg2[%dma_wait3A_41, %dma_wait3A_42] : memref<580000x32xf32, #tpu.memory_space<hbm>> -> memref<1664x32xf32, #tpu.memory_space<hbm>>
      %dma_wait3A_44 = arith.constant 0 : i32
      %dma_wait3A_45 = arith.constant 0 : i32
      %dma_wait3A_46 = tpu.memref_slice %arg2[%dma_wait3A_44, %dma_wait3A_45] : memref<580000x32xf32, #tpu.memory_space<hbm>> -> memref<1664x32xf32, #tpu.memory_space<hbm>>
      tpu.wait_dma2 semaphore(%arg10 : memref<!tpu.dma_semaphore, #tpu.memory_space<semaphore_mem>>) src(%dma_wait3A_46 : memref<1664x32xf32, #tpu.memory_space<hbm>>) dst(%arg8 : memref<1664x32xf32, #tpu.memory_space<vmem>>)
      %add3A_47 = arith.constant 1 : i32
      %add3A_48 = arith.addi %mul3A_17, %add3A_47 : i32
      %mul3A_49 = arith.constant 1664 : i32
      %mul3A_50 = arith.muli %add3A_48, %mul3A_49 : i32
      %add3A_51 = arith.addi %mul3A_2, %mul3A_50 : i32
      %dma_start3A_52 = arith.constant 0 : i32
      %dma_start3A_53 = tpu.memref_slice %arg4[%add3A_51, %dma_start3A_52] : memref<425984x32xf32, #tpu.memory_space<hbm>> -> memref<1664x32xf32, #tpu.memory_space<hbm>>
      %dma_start3A_54 = arith.constant 0 : i32
      %dma_start3A_55 = tpu.memref_slice %arg4[%add3A_51, %dma_start3A_54] : memref<425984x32xf32, #tpu.memory_space<hbm>> -> memref<1664x32xf32, #tpu.memory_space<hbm>>
      tpu.enqueue_dma source(%arg8 : memref<1664x32xf32, #tpu.memory_space<vmem>>) target(%dma_start3A_55 : memref<1664x32xf32, #tpu.memory_space<hbm>>) target_semaphore(%arg12 : memref<!tpu.dma_semaphore, #tpu.memory_space<semaphore_mem>>)
      %dma_wait3A_56 = arith.constant 0 : i32
      %dma_wait3A_57 = tpu.memref_slice %arg4[%mul3A_2, %dma_wait3A_56] : memref<425984x32xf32, #tpu.memory_space<hbm>> -> memref<1664x32xf32, #tpu.memory_space<hbm>>
      %dma_wait3A_58 = arith.constant 0 : i32
      %dma_wait3A_59 = tpu.memref_slice %arg4[%mul3A_2, %dma_wait3A_58] : memref<425984x32xf32, #tpu.memory_space<hbm>> -> memref<1664x32xf32, #tpu.memory_space<hbm>>
      tpu.wait_dma2 semaphore(%arg12 : memref<!tpu.dma_semaphore, #tpu.memory_space<semaphore_mem>>) src(%arg8 : memref<1664x32xf32, #tpu.memory_space<vmem>>) dst(%dma_wait3A_59 : memref<1664x32xf32, #tpu.memory_space<hbm>>)
    }
    %scan3A_11 = arith.constant 4 : i32
    %dma_wait3A = arith.constant 0 : i32
    %dma_wait3A_12 = tpu.memref_slice %arg4[%mul3A_2, %dma_wait3A] : memref<425984x32xf32, #tpu.memory_space<hbm>> -> memref<1664x32xf32, #tpu.memory_space<hbm>>
    %dma_wait3A_13 = arith.constant 0 : i32
    %dma_wait3A_14 = tpu.memref_slice %arg4[%mul3A_2, %dma_wait3A_13] : memref<425984x32xf32, #tpu.memory_space<hbm>> -> memref<1664x32xf32, #tpu.memory_space<hbm>>
    tpu.wait_dma2 semaphore(%arg11 : memref<!tpu.dma_semaphore, #tpu.memory_space<semaphore_mem>>) src(%arg7 : memref<1664x32xf32, #tpu.memory_space<vmem>>) dst(%dma_wait3A_14 : memref<1664x32xf32, #tpu.memory_space<hbm>>)
    return
  }
}

module attributes {stable_mosaic.version = 14 : i64} {
  func.func @dense_kernel(%arg0: i32, %arg1: memref<1024x832xf32, #tpu.memory_space<vmem>>, %arg2: memref<832x30xf32, #tpu.memory_space<vmem>>, %arg3: memref<1x30xf32, #tpu.memory_space<vmem>>, %arg4: memref<1024x30xf32, #tpu.memory_space<vmem>>) attributes {dimension_semantics = [#tpu.dimension_semantics<arbitrary>], iteration_bounds = array<i64: 16>, scalar_prefetch = 0 : i64, scratch_operands = 0 : i64, tpu.core_type = #tpu.core_type<tc>, window_params = [{transform_indices = @transform_0, window_bounds = array<i64: 1024, 832>}, {pipeline_mode = #tpu.pipeline_mode<synchronous>, transform_indices = @transform_1, window_bounds = array<i64: 832, 30>}, {pipeline_mode = #tpu.pipeline_mode<synchronous>, transform_indices = @transform_2, window_bounds = array<i64: 1, 30>}, {transform_indices = @transform_3, window_bounds = array<i64: 1024, 30>}]} {
    %get3A = arith.constant 0 : index
    %get3A_0 = arith.constant 0 : index
    %get3A_1 = vector.load %arg1[%get3A, %get3A_0] : memref<1024x832xf32, #tpu.memory_space<vmem>>, vector<1024x832xf32>
    %get3A_2 = arith.constant 0 : index
    %get3A_3 = arith.constant 0 : index
    %get3A_4 = vector.load %arg2[%get3A_2, %get3A_3] : memref<832x30xf32, #tpu.memory_space<vmem>>, vector<832x30xf32>
    %dot_general3A = arith.constant dense<0.000000e+00> : vector<1024x30xf32>
    %dot_general3A_5 = tpu.matmul %get3A_1, %get3A_4, %dot_general3A {dimension_numbers = #tpu.dot_dimension_numbers<[1], [0], [0], [1], [0, 0, 1, 1], [], []>, transpose_lhs_hint = false} : vector<1024x832xf32>, vector<832x30xf32>, vector<1024x30xf32> -> vector<1024x30xf32>
    %get3A_6 = arith.constant 0 : index
    %get3A_7 = arith.constant 0 : index
    %get3A_8 = vector.load %arg3[%get3A_6, %get3A_7] : memref<1x30xf32, #tpu.memory_space<vmem>>, vector<1x30xf32>
    %add3A = vector.broadcast %get3A_8 : vector<1x30xf32> to vector<1024x30xf32>
    %add3A_9 = arith.addf %dot_general3A_5, %add3A : vector<1024x30xf32>
    %max3A = arith.constant 0.000000e+00 : f32
    %max3A_10 = vector.broadcast %max3A : f32 to vector<1024x30xf32>
    %max3A_11 = arith.maximumf %add3A_9, %max3A_10 : vector<1024x30xf32>
    %swap3A = arith.constant 0 : index
    %swap3A_12 = arith.constant 0 : index
    %swap3A_13 = vector.load %arg4[%swap3A, %swap3A_12] : memref<1024x30xf32, #tpu.memory_space<vmem>>, vector<1024x30xf32>
    tpu.vector_store %arg4[%swap3A, %swap3A_12], %max3A_11 {strides = array<i32>} : memref<1024x30xf32, #tpu.memory_space<vmem>>, vector<1024x30xf32>,
    return
  }
  func.func @transform_0(%arg0: i32) -> (i32, i32) {
    %c0_i32 = arith.constant 0 : i32
    %c0_i32_0 = arith.constant 0 : i32
    return %arg0, %c0_i32 : i32, i32
  }
  func.func @transform_1(%arg0: i32) -> (i32, i32) {
    %c0_i32 = arith.constant 0 : i32
    %c0_i32_0 = arith.constant 0 : i32
    %c0_i32_1 = arith.constant 0 : i32
    return %c0_i32, %c0_i32_0 : i32, i32
  }
  func.func @transform_2(%arg0: i32) -> (i32, i32) {
    %c0_i32 = arith.constant 0 : i32
    %c0_i32_0 = arith.constant 0 : i32
    %c0_i32_1 = arith.constant 0 : i32
    return %c0_i32, %c0_i32_0 : i32, i32
  }
  func.func @transform_3(%arg0: i32) -> (i32, i32) {
    %c0_i32 = arith.constant 0 : i32
    %c0_i32_0 = arith.constant 0 : i32
    return %arg0, %c0_i32 : i32, i32
  }
}

</mosaic_0001>

<sc_bundles>
// kernel: kernel.4.cloned.1.call-start
scs
__scs_entry_jumppad:
0x0: {  	(pc) =	sbr.rel $0x88, $3  }
0x1: {  	(tag) =	ssettag $0x0;
	lr =	simm.s32 $0x1  }
0x2: {  	[smem:$0x3F9D] =	sst lr;
	_ =	strace $0xD0000000  }
0x3: {  	_ = 	snop  }
0x4: {  	_ = 	snop  }
0x5: {  	_ = 	snop  }
0x6: {  	_ = 	snop  }
0x7: {  	_ = 	snop  }
__scs_overlays_trampoline_lowered:
0x8: {  	[smem:$0x3FAC] =	sst s0  }
0x9: {  	[smem:$0x3FAD] =	sst s1  }
0xa: {  	[smem:$0x3FAE] =	sst s2  }
0xb: {  	[smem:$0x3FAF] =	sst s3  }
0xc: {  	[smem:$0x3FB0] =	sst s4  }
0xd: {  	[smem:$0x3FB1] =	sst s5  }
0xe: {  	[smem:$0x3FB2] =	sst s6  }
0xf: {  	[smem:$0x3FB3] =	sst s7  }
0x10: {  	[smem:$0x3FB4] =	sst s8  }
0x11: {  	[smem:$0x3FB5] =	sst s9;
	s0 =	simm.s32 @!p0 $0x0  }
0x12: {  	s1 =	sld [smem:$0x3F9B];
	s0 =	simm.s32 @p0 $0x1  }
0x13: {  	[smem:$0x3FB6] =	sst s0;
	s0 =	simm.s32 @!p1 $0x0  }
0x14: {  	s2 =	sld [smem:$0x3F9A];
	s0 =	simm.s32 @p1 $0x1  }
0x15: {  	[smem:$0x3FB7] =	sst s0;
	s0 =	simm.s32 @!p2 $0x0  }
0x16: {  	s3 =	sld [smem:$0x3FDB];
	s0 =	simm.s32 @p2 $0x1  }
0x17: {  	s4 =	simm.s32 $0x1BF5;
	[smem:$0x3FB9] =	sst s0  }
0x18: {  	s0 =	sld [smem:$0x3F9C];
	_ =	swait.ge [sflag:s4], $0x0  }
0x19: {  	s7 =	sld [smem:$0x3F9D]  }
0x1a: {  	s8 =	sadd.s32 $0xFFFFE003, lr  }
0x1b: {  	s9 =	sadd.s32 $0xFFFFFEF7, lr;
	s5 =	simm.s32 $0xFFFFFFFF;
	p2 =	slt.u32 s8, $0xFFFFF086  }
0x1c: {  	p1 =	slt.u32 s9, $0xF7A;
	s5 =	simm.s32 @!p2 $0x0  }
0x1d: {  	s5 =	simm.s32 @p1 $0x1;
	p0 =	seq.s32 s7, s2  }
0x1e: {  	s7 =	smul.u32 @!p0 $0xF7A, s2;
	p2 =	seq.s32 @!p0 s5, $0x0  }
0x1f: {  	s9 =	smul.u32 $0xF7A, s1;
	s8 =	simm.s32 @!p0 $0x1BF5;
	p2 =	por !p2, p0  }
0x20: {  	[sflag:s8] =	ssyncset.s32 @!p0 $0xFFFFF086;
	s6 =	sadd.s32 @!p0 s3, s7;
	s7 =	simm.s32 @!p0 $0x108  }
0x21: {  	s3 =	sadd.s32 s3, s9;
	s6 =	sadd.s32 @!p0 $0x88, s6;
	s7 =	simm.s32 @p2 $0x1082  }
0x22: {  	[simem:s7], [sflag:s8] =	dma.local @!p0 [hbm:s6], $0xF7A  }
0x23: {  	s9 =	sor.u32 $0xD0000000, s2;
	s6 =	simm.s32 $0x108;
	_ =	swait.ge @!p0 [sflag:s8], $0x0  }
0x24: {  	s3 =	sadd.s32 $0x88, s3;
	s6 =	simm.s32 @!p1 $0x1082;
	[sflag:s4] =	ssyncset.s32 $0xFFFFF086  }
0x25: {  	[simem:s6], [sflag:s4] =	dma.local [hbm:s3], $0xF7A  }
0x26: {  	[smem:$0x3F9D] =	sst s1;
	(tag) =	ssettag s2;
	_ =	strace s9  }
0x27: {  	s1 =	sld [smem:$0x3FAD]  }
0x28: {  	s2 =	sld [smem:$0x3FAE]  }
0x29: {  	s4 =	sld [smem:$0x3FB0]  }
0x2a: {  	p0 =	seq.s32 s5, $0x0;
	s5 =	sld [smem:$0x3FB1]  }
0x2b: {  	s6 =	sld [smem:$0x3FB2]  }
0x2c: {  	s7 =	sld [smem:$0x3FB3]  }
0x2d: {  	s3 =	simm.s32 $0x108;
	s8 =	sld [smem:$0x3FB4]  }
0x2e: {  	s3 =	simm.s32 @!p0 $0x1082;
	s9 =	sld [smem:$0x3FB5]  }
0x2f: {  	lr =	sadd.s32 s0, s3;
	s0 =	sld [smem:$0x3FAC]  }
0x30: {  	s3 =	sld [smem:$0x3FAF]  }
0x31: {  	[smem:$0x3FB8] =	sst s10  }
0x32: {  	s10 =	sld [smem:$0x3FB6];
	_ =	sdelay $0x3  }
0x33: {  	p0 =	seq.s32 s10, $0x1;
	s10 =	sld [smem:$0x3FB8];
	_ =	sdelay $0x3  }
0x34: {  	[smem:$0x3FB8] =	sst s10  }
0x35: {  	s10 =	sld [smem:$0x3FB7];
	_ =	sdelay $0x3  }
0x36: {  	p1 =	seq.s32 s10, $0x1;
	s10 =	sld [smem:$0x3FB8];
	_ =	sdelay $0x3  }
0x37: {  	[smem:$0x3FB8] =	sst s10  }
0x38: {  	s10 =	sld [smem:$0x3FB9]  }
0x39: {  	_ = 	snop;
	(pc) =	sbr.ind lr, $3  }
0x3a: {  	_ = 	snop  }
0x3b: {  	_ = 	snop  }
0x3c: {  	p2 =	seq.s32 s10, $0x1;
	s10 =	sld [smem:$0x3FB8]  }
0x3d: {  	_ =	shalt  }
0x3e: {  	_ =	shalt  }
0x3f: {  	_ =	shalt  }
0x40: {  	_ =	shalt  }
0x41: {  	_ =	shalt  }
0x42: {  	_ =	shalt  }
0x43: {  	_ =	shalt  }
0x44: {  	_ =	shalt  }
0x45: {  	_ =	shalt  }
0x46: {  	_ =	shalt  }
0x47: {  	_ =	shalt  }
0x48: {  	_ =	shalt  }
0x49: {  	_ =	shalt  }
0x4a: {  	_ =	shalt  }
0x4b: {  	_ =	shalt  }
0x4c: {  	_ =	shalt  }
0x4d: {  	_ =	shalt  }
0x4e: {  	_ =	shalt  }
0x4f: {  	_ =	shalt  }
0x50: {  	_ =	shalt  }
0x51: {  	_ =	shalt  }
0x52: {  	_ =	shalt  }
0x53: {  	_ =	shalt  }
0x54: {  	_ =	shalt  }
0x55: {  	_ =	shalt  }
0x56: {  	_ =	shalt  }
0x57: {  	_ =	shalt  }
0x58: {  	_ =	shalt  }
0x59: {  	_ =	shalt  }
0x5a: {  	_ =	shalt  }
0x5b: {  	_ =	shalt  }
0x5c: {  	_ =	shalt  }
0x5d: {  	_ =	shalt  }
0x5e: {  	_ =	shalt  }
0x5f: {  	_ =	shalt  }
0x60: {  	_ =	shalt  }
0x61: {  	_ =	shalt  }
0x62: {  	_ =	shalt  }
0x63: {  	_ =	shalt  }
0x64: {  	_ =	shalt  }
0x65: {  	_ =	shalt  }
0x66: {  	_ =	shalt  }
0x67: {  	_ =	shalt  }
0x68: {  	_ =	shalt  }
0x69: {  	_ =	shalt  }
0x6a: {  	_ =	shalt  }
0x6b: {  	_ =	shalt  }
0x6c: {  	_ =	shalt  }
0x6d: {  	_ =	shalt  }
0x6e: {  	_ =	shalt  }
0x6f: {  	_ =	shalt  }
0x70: {  	_ =	shalt  }
0x71: {  	_ =	shalt  }
0x72: {  	_ =	shalt  }
0x73: {  	_ =	shalt  }
0x74: {  	_ =	shalt  }
0x75: {  	_ =	shalt  }
0x76: {  	_ =	shalt  }
0x77: {  	_ =	shalt  }
0x78: {  	_ =	shalt  }
0x79: {  	_ =	shalt  }
0x7a: {  	_ =	shalt  }
0x7b: {  	_ =	shalt  }
0x7c: {  	_ =	shalt  }
0x7d: {  	_ =	shalt  }
0x7e: {  	_ =	shalt  }
0x7f: {  	_ =	shalt  }
0x80: {  	_ =	shalt  }
0x81: {  	_ =	shalt  }
0x82: {  	_ =	shalt  }
0x83: {  	_ =	shalt  }
0x84: {  	_ =	shalt  }
0x85: {  	_ =	shalt  }
0x86: {  	_ =	shalt  }
0x87: {  	_ =	shalt  }
.Lfunc_end0:
.L_simem_size_0:
called_computation_lowered:
.L_overlay_start_0:
0x88: {  	s2 =	sld [smem:$0x3FD9]  }
0x89: {  	s3 =	sld [smem:$0x3FFE];
	_ =	sdelay $0x1  }
0x8a: {  	s1 =	srdreg.scid  }
0x8b: {  	s0 =	sand.u32 $0x1, s1  }
0x8c: {  	s17 =	sshll.u32 s0, $0xA;
	s2 =	sadd.s32 s3, s2  }
0x8d: {  	s2 =	sadd.s32 s2, s17  }
0x8e: {  	[smem:$0x3FC4] =	sst s2  }
0x8f: {  	_ = 	snop  }
0x90: {  	s2 =	sld [smem:$0x3FD0];
	(tm) =	ssettm $0x1  }
0x91: {  	s18 =	sld [smem:$0x3FFB];
	_ =	sdelay $0x3  }
0x92: {  	_ =	strace s18  }
0x93: {  	s3 =	sld [smem:$0x3FFC];
	_ =	sdelay $0x3  }
0x94: {  	_ =	strace s3  }
0x95: {  	s3 =	sld [smem:$0x3FFD];
	_ =	sdelay $0x3  }
0x96: {  	_ =	strace s3  }
0x97: {  	_ =	strace $0x8FFFFFFF  }
0x98: {  	s19 =	sld [smem:$0x3FDB];
	_ =	sdelay $0x1  }
0x99: {  	s4 =	simm.s32 $_scs_section_size  }
0x9a: {  	s5 =	simm.s32 $_size__tile_overlayer_lowered;
	s6 =	simm.s32 $_tile_overlayer_lowered  }
0x9b: {  	s22 =	simm.s32 $0x1BFF;
	s21 =	sshll.u32 s6, $0x1;
	s3 =	sadd.s32 s4, s19  }
0x9c: {  	s7 =	simm.s32 $0x0;
	s20 =	sshll.u32 s5, $0x1;
	s5 =	sadd.s32 s21, s3  }
0x9d: {  	[timem:s7], [sflag:s22] =	dma.local [hbm:s5], s20  }
0x9e: {  	_ =	swait.ge [sflag:s22], s20  }
0x9f: {  	s4 =	ssub.s32 $0x0, s20;
	[sflag:s22] =	ssyncset.done $0x0  }
0xa0: {  	[sflag:s22] =	ssyncadd.s32 s4;
	_ =	sdelay $0x1  }
0xa1: {  	s23 =	simm.s32 $0x1B8B  }
0xa2: {  	_ =	swait.ge [sflag:s23], $0x1  }
0xa3: {  	[sflag:s23] =	ssyncset.done $0x0  }
0xa4: {  	s25 =	simm.s32 $0x1B8E;
	s24 =	sld [smem:$0x3FFE];
	[sflag:s23] =	ssyncadd.s32 $0xFFFFFFFF  }
0xa5: {  	s26 =	simm.s32 $execute0_lowered;
	[smem:$0x3FD2] =	sst s25  }
0xa6: {  	s5 =	sshll.u32 s26, $0x1;
	_ =	strace $0x80000046;
	[dreg:$0x1] =	wrdreg $0xFFFFFFFF  }
0xa7: {  	s28 =	simm.s32 $_size_execute0_lowered;
	s3 =	sadd.s32 s3, s5;
	[dreg:$0x0] =	wrdreg $0x0  }
0xa8: {  	s5 =	sshll.u32 s28, $0x1;
	[dreg:$0x2] =	wrdreg s3  }
0xa9: {  	[dreg:$0x3] =	wrdreg s5  }
0xaa: {  	[dreg:$0x4] =	wrdreg $0xC0  }
0xab: {  	_ =	task [dreg:s7], $0x5FFFF  }
0xac: {  	[dreg:$0x1] =	wrdreg $0xFFFFFFFF  }
0xad: {  	[dreg:$0x0] =	wrdreg $0x60  }
0xae: {  	[dreg:$0x2] =	wrdreg s24  }
0xaf: {  	[dreg:$0x3] =	wrdreg s2  }
0xb0: {  	[dreg:$0x4] =	wrdreg $0x9  }
0xb1: {  	_ =	task.clear_ibuf [dreg:s7], $0x5FFFF;
	_ =	strace $0x90000046  }
0xb2: {  	s29 =	simm.s32 $0x9;
	_ =	strace $0x80000048  }
0xb3: {  	_ =	swait.ge [sflag:s29], $0x1  }
0xb4: {  	[sflag:s29] =	ssyncadd.s32 $0xFFFFFFFF  }
0xb5: {  	_ =	strace $0x90000048  }
0xb6: {  	_ =	sfence  }
0xb7: {  	s30 =	sld [smem:$0x0];
	_ =	sdelay $0x2  }
0xb8: {  	s31 =	sshll.u32 s1, $0xD;
	s1 =	sshrl.u32 s1, $0x2  }
0xb9: {  	s3 =	sand.u32 $0x4000, s31;
	s1 =	sadd.s32 s1, s30  }
0xba: {  	s0 =	sor.u32 s3, s0;
	s1 =	sshll.u32 s1, $0x11  }
0xbb: {  	s0 =	sor.u32 s1, s0  }
0xbc: {  	s0 =	sadd.s32 $0x8F2B, s0  }
0xbd: {  	[sflag:s0] =	ssyncadd.remote.s32 $0x1  }
0xbe: {  	_ =	sfence.sel $0xFFFF  }
0xbf: {  	[dreg:$0x0] =	wrdreg $0xFFFFFFFF;
	(pc) =	sbr.abs _section_cstart, $3  }
0xc0: {  	[dreg:$0x1] =	wrdreg $0xFFFFFFFF  }
0xc1: {  	_ =	task.clear_ibuf [dreg:s7], $0x2FFFF;
	_ =	strace $0x9FFFFFFF  }
0xc2: {  	(tm) =	ssettm $0x7FFFFFFF  }
0xc3: {  	_ =	shalt  }
tec
execute0_lowered:
.L_overlay_start_1:
0x0: {  	(tag) =	ssettag $0x1  }
0x1: {  	s1 =	srdreg.scid;
	s0 =	stileid.u32  }
0x2: {  	s29 =	sand.u32 $0x1, s1;
	s30 =	sshll.u32 s0, $0x1  }
0x3: {  	s12 =	sor.u32 s29, s30  }
0x4: {  	s11 =	rddreg [dreg:$0x0];
	s26 =	smul.u32 $0x3400, s12  }
0x5: {  	s25 =	rddreg [dreg:$0x1];
	s2 =	simm.s32 $0x0  }
0x6: {  	s4 =	simm.s32 $0x5;
	[smem:$0x7FF] =	sst s2;
	s3 =	sshrl.u32 s26, $0x3  }
0x7: {  	s1 =	rddreg [dreg:$0x2];
	_ =	strace $0x80000047;
	s3 =	sadd.s32 s25, s3  }
0x8: {  	[tilespmem:s2], [sflag:$0x5] =	stream.linear.gather [hbm4b:s3+s2], $0x680, $0x38;
	[tilespmem:$0x1AD00] =	vst v63  }
0x9: {  	s6 =	simm.s32 $0x680;
	_ =	swait.ge [sflag:s4], $0x680  }
0xa: {  	s7 =	simm.s32 $0xD00;
	s15 =	sadd.s32 $0x680, s26;
	[sflag:s4] =	ssyncset.done $0x0  }
0xb: {  	s5 =	sadd.s32 $0x8DA400, s11;
	s8 =	sshrl.u32 s15, $0x3;
	[sflag:s4] =	ssyncadd.s32 $0xFFFFF980  }
0xc: {  	[tilespmem:s7], [sflag:$0x1] =	stream.indirect.gather [hbm4b:s5+s6], $0x20, s2, s6, $0xb8;
	[tilespmem:$0x1AD00] =	vst v63  }
0xd: {  	s8 =	sadd.s32 s25, s8  }
0xe: {  	[tilespmem:s6], [sflag:$0x5] =	stream.linear.gather [hbm4b:s8+s2], $0x680, $0x38;
	[tilespmem:$0x1AD00] =	vst v63  }
0xf: {  	_ =	swait.ge [sflag:s4], $0x680  }
0x10: {  	[sflag:s4] =	ssyncset.done $0x0  }
0x11: {  	s9 =	simm.s32 $0xDD00;
	s10 =	simm.s32 $0x1;
	[sflag:s4] =	ssyncadd.s32 $0xFFFFF980  }
0x12: {  	[tilespmem:s9], [sflag:$0x2] =	stream.indirect.gather [hbm4b:s5+s6], $0x20, s6, s6, $0xb8;
	[tilespmem:$0x1AD00] =	vst v63  }
0x13: {  	s12 =	smul.u32 $0xD000, s12;
	_ =	swait.ge [sflag:s10], $0xD000  }
0x14: {  	s28 =	sadd.s32 $0xA00, s11;
	[sflag:s10] =	ssyncset.done $0x0  }
0x15: {  	s11 =	simm.s32 $0x3;
	s12 =	sadd.s32 s28, s12;
	[sflag:s10] =	ssyncadd.s32 $0xFFFF3000  }
0x16: {  	[hbm4b:s12+s2] =	stream.linear.scatter [tilespmem:s7], [sflag:$0x3], $0xD000, $0x38;
	[tilespmem:$0x1AD00] =	vst v63  }
0x17: {  	_ =	swait.ge [sflag:s11], $0xD000  }
0x18: {  	[sflag:s11] =	ssyncset.done $0x0  }
0x19: {  	s13 =	sadd.s32 $0x1A0, s3;
	[sflag:s11] =	ssyncadd.s32 $0xFFFF3000  }
0x1a: {  	[tilespmem:s2], [sflag:$0x5] =	stream.linear.gather [hbm4b:s13+s2], $0x680, $0x38;
	[tilespmem:$0x1AD00] =	vst v63  }
0x1b: {  	_ =	swait.ge [sflag:s4], $0x680  }
0x1c: {  	[sflag:s4] =	ssyncset.done $0x0  }
0x1d: {  	s14 =	simm.s32 $0x2;
	[sflag:s4] =	ssyncadd.s32 $0xFFFFF980  }
0x1e: {  	[tilespmem:s7], [sflag:$0x1] =	stream.indirect.gather [hbm4b:s5+s6], $0x20, s2, s6, $0xb8;
	[tilespmem:$0x1AD00] =	vst v63  }
0x1f: {  	_ =	swait.ge [sflag:s14], $0xD000  }
0x20: {  	s15 =	sshll.u32 s15, $0x2;
	[sflag:s14] =	ssyncset.done $0x0  }
0x21: {  	s16 =	simm.s32 $0x4;
	s15 =	sadd.s32 s28, s15;
	[sflag:s14] =	ssyncadd.s32 $0xFFFF3000  }
0x22: {  	[hbm4b:s15+s2] =	stream.linear.scatter [tilespmem:s9], [sflag:$0x4], $0xD000, $0x38;
	[tilespmem:$0x1AD00] =	vst v63  }
0x23: {  	s20 =	sadd.s32 $0x1380, s26;
	_ =	swait.ge [sflag:s16], $0xD000  }
0x24: {  	s17 =	sshrl.u32 s20, $0x3;
	[sflag:s16] =	ssyncset.done $0x0  }
0x25: {  	s17 =	sadd.s32 s25, s17;
	[sflag:s16] =	ssyncadd.s32 $0xFFFF3000  }
0x26: {  	[tilespmem:s6], [sflag:$0x5] =	stream.linear.gather [hbm4b:s17+s2], $0x680, $0x38;
	[tilespmem:$0x1AD00] =	vst v63  }
0x27: {  	_ =	swait.ge [sflag:s4], $0x680  }
0x28: {  	[sflag:s4] =	ssyncset.done $0x0  }
0x29: {  	[sflag:s4] =	ssyncadd.s32 $0xFFFFF980  }
0x2a: {  	[tilespmem:s9], [sflag:$0x2] =	stream.indirect.gather [hbm4b:s5+s6], $0x20, s6, s6, $0xb8;
	[tilespmem:$0x1AD00] =	vst v63  }
0x2b: {  	_ =	swait.ge [sflag:s10], $0xD000  }
0x2c: {  	[sflag:s10] =	ssyncset.done $0x0  }
0x2d: {  	s18 =	sadd.s32 $0x3400, s12;
	[sflag:s10] =	ssyncadd.s32 $0xFFFF3000  }
0x2e: {  	[hbm4b:s18+s2] =	stream.linear.scatter [tilespmem:s7], [sflag:$0x3], $0xD000, $0x38;
	[tilespmem:$0x1AD00] =	vst v63  }
0x2f: {  	_ =	swait.ge [sflag:s11], $0xD000  }
0x30: {  	[sflag:s11] =	ssyncset.done $0x0  }
0x31: {  	s19 =	sadd.s32 $0x340, s3;
	[sflag:s11] =	ssyncadd.s32 $0xFFFF3000  }
0x32: {  	[tilespmem:s2], [sflag:$0x5] =	stream.linear.gather [hbm4b:s19+s2], $0x680, $0x38;
	[tilespmem:$0x1AD00] =	vst v63  }
0x33: {  	_ =	swait.ge [sflag:s4], $0x680  }
0x34: {  	[sflag:s4] =	ssyncset.done $0x0  }
0x35: {  	[sflag:s4] =	ssyncadd.s32 $0xFFFFF980  }
0x36: {  	[tilespmem:s7], [sflag:$0x1] =	stream.indirect.gather [hbm4b:s5+s6], $0x20, s2, s6, $0xb8;
	[tilespmem:$0x1AD00] =	vst v63  }
0x37: {  	_ =	swait.ge [sflag:s14], $0xD000  }
0x38: {  	s20 =	sshll.u32 s20, $0x2;
	[sflag:s14] =	ssyncset.done $0x0  }
0x39: {  	s20 =	sadd.s32 s28, s20;
	[sflag:s14] =	ssyncadd.s32 $0xFFFF3000  }
0x3a: {  	[hbm4b:s20+s2] =	stream.linear.scatter [tilespmem:s9], [sflag:$0x4], $0xD000, $0x38;
	[tilespmem:$0x1AD00] =	vst v63  }
0x3b: {  	s24 =	sadd.s32 $0x2080, s26;
	_ =	swait.ge [sflag:s16], $0xD000  }
0x3c: {  	s21 =	sshrl.u32 s24, $0x3;
	[sflag:s16] =	ssyncset.done $0x0  }
0x3d: {  	s21 =	sadd.s32 s25, s21;
	[sflag:s16] =	ssyncadd.s32 $0xFFFF3000  }
0x3e: {  	[tilespmem:s6], [sflag:$0x5] =	stream.linear.gather [hbm4b:s21+s2], $0x680, $0x38;
	[tilespmem:$0x1AD00] =	vst v63  }
0x3f: {  	_ =	swait.ge [sflag:s4], $0x680  }
0x40: {  	[sflag:s4] =	ssyncset.done $0x0  }
0x41: {  	[sflag:s4] =	ssyncadd.s32 $0xFFFFF980  }
0x42: {  	[tilespmem:s9], [sflag:$0x2] =	stream.indirect.gather [hbm4b:s5+s6], $0x20, s6, s6, $0xb8;
	[tilespmem:$0x1AD00] =	vst v63  }
0x43: {  	_ =	swait.ge [sflag:s10], $0xD000  }
0x44: {  	[sflag:s10] =	ssyncset.done $0x0  }
0x45: {  	s22 =	sadd.s32 $0x6800, s12;
	[sflag:s10] =	ssyncadd.s32 $0xFFFF3000  }
0x46: {  	[hbm4b:s22+s2] =	stream.linear.scatter [tilespmem:s7], [sflag:$0x3], $0xD000, $0x38;
	[tilespmem:$0x1AD00] =	vst v63  }
0x47: {  	_ =	swait.ge [sflag:s11], $0xD000  }
0x48: {  	[sflag:s11] =	ssyncset.done $0x0  }
0x49: {  	s23 =	sadd.s32 $0x4E0, s3;
	[sflag:s11] =	ssyncadd.s32 $0xFFFF3000  }
0x4a: {  	[tilespmem:s2], [sflag:$0x5] =	stream.linear.gather [hbm4b:s23+s2], $0x680, $0x38;
	[tilespmem:$0x1AD00] =	vst v63  }
0x4b: {  	_ =	swait.ge [sflag:s4], $0x680  }
0x4c: {  	[sflag:s4] =	ssyncset.done $0x0  }
0x4d: {  	[sflag:s4] =	ssyncadd.s32 $0xFFFFF980  }
0x4e: {  	[tilespmem:s7], [sflag:$0x1] =	stream.indirect.gather [hbm4b:s5+s6], $0x20, s2, s6, $0xb8;
	[tilespmem:$0x1AD00] =	vst v63  }
0x4f: {  	_ =	swait.ge [sflag:s14], $0xD000  }
0x50: {  	s24 =	sshll.u32 s24, $0x2;
	[sflag:s14] =	ssyncset.done $0x0  }
0x51: {  	s24 =	sadd.s32 s28, s24;
	[sflag:s14] =	ssyncadd.s32 $0xFFFF3000  }
0x52: {  	[hbm4b:s24+s2] =	stream.linear.scatter [tilespmem:s9], [sflag:$0x4], $0xD000, $0x38;
	[tilespmem:$0x1AD00] =	vst v63  }
0x53: {  	s30 =	sadd.s32 $0x2D80, s26;
	_ =	swait.ge [sflag:s16], $0xD000  }
0x54: {  	s26 =	sshrl.u32 s30, $0x3;
	[sflag:s16] =	ssyncset.done $0x0  }
0x55: {  	s25 =	sadd.s32 s25, s26;
	[sflag:s16] =	ssyncadd.s32 $0xFFFF3000  }
0x56: {  	[tilespmem:s6], [sflag:$0x5] =	stream.linear.gather [hbm4b:s25+s2], $0x680, $0x38;
	[tilespmem:$0x1AD00] =	vst v63  }
0x57: {  	_ =	swait.ge [sflag:s4], $0x680  }
0x58: {  	[sflag:s4] =	ssyncset.done $0x0  }
0x59: {  	[sflag:s4] =	ssyncadd.s32 $0xFFFFF980  }
0x5a: {  	[tilespmem:s9], [sflag:$0x2] =	stream.indirect.gather [hbm4b:s5+s6], $0x20, s6, s6, $0xb8;
	[tilespmem:$0x1AD00] =	vst v63  }
0x5b: {  	_ =	swait.ge [sflag:s10], $0xD000  }
0x5c: {  	s29 =	ssub.s32 $0x2, s29;
	[sflag:s10] =	ssyncset.done $0x0  }
0x5d: {  	s31 =	sshrl.u32 s29, $0x1;
	s26 =	sadd.s32 $0x9C00, s12;
	[sflag:s10] =	ssyncadd.s32 $0xFFFF3000  }
0x5e: {  	[hbm4b:s26+s2] =	stream.linear.scatter [tilespmem:s7], [sflag:$0x3], $0xD000, $0x38;
	[tilespmem:$0x1AD00] =	vst v63  }
0x5f: {  	s29 =	ssub.s32 s29, s31;
	_ =	swait.ge [sflag:s14], $0xD000  }
0x60: {  	s29 =	smax.u32 s29, $0x1;
	s30 =	sshll.u32 s30, $0x2;
	[sflag:s14] =	ssyncset.done $0x0  }
0x61: {  	p0 =	sne.s32 s29, $0x1;
	s28 =	sadd.s32 s28, s30;
	[sflag:s14] =	ssyncadd.s32 $0xFFFF3000  }
0x62: {  	[hbm4b:s28+s2] =	stream.linear.scatter [tilespmem:s9], [sflag:$0x4], $0xD000, $0x38;
	[tilespmem:$0x1AD00] =	vst v63  }
.Ltmp0:
0x63: {  	_ =	swait.ge [sflag:s16], $0xD000;
	(pc) =	sbr.rel @!p0 .LBB2_2-.Ltmp0, $4  }
0x64: {  	[sflag:s16] =	ssyncset.done $0x0  }
0x65: {  	[sflag:s16] =	ssyncadd.s32 $0xFFFF3000  }
0x66: {  	_ =	swait.ge [sflag:s11], $0xD000  }
0x67: {  	s29 =	sadd.s32 $0xFFFFFFFF, s29;
	[sflag:s11] =	ssyncset.done $0x0  }
.LBB2_1:
0x68: {  	p0 =	sne.s32 s29, $0x1;
	s29 =	sadd.s32 $0xFFFFFFFF, s29;
	[sflag:s11] =	ssyncadd.s32 $0xFFFF3000  }
0x69: {  	[tilespmem:s2], [sflag:$0x5] =	stream.linear.gather [hbm4b:s3+s2], $0x680, $0x38;
	[tilespmem:$0x1AD00] =	vst v63  }
0x6a: {  	_ =	swait.ge [sflag:s4], $0x680  }
0x6b: {  	[sflag:s4] =	ssyncset.done $0x0  }
0x6c: {  	[sflag:s4] =	ssyncadd.s32 $0xFFFFF980  }
0x6d: {  	[tilespmem:s7], [sflag:$0x1] =	stream.indirect.gather [hbm4b:s5+s6], $0x20, s2, s6, $0xb8;
	[tilespmem:$0x1AD00] =	vst v63  }
0x6e: {  	_ = 	snop  }
0x6f: {  	[tilespmem:s6], [sflag:$0x5] =	stream.linear.gather [hbm4b:s8+s2], $0x680, $0x38;
	[tilespmem:$0x1AD00] =	vst v63  }
0x70: {  	_ =	swait.ge [sflag:s4], $0x680  }
0x71: {  	[sflag:s4] =	ssyncset.done $0x0  }
0x72: {  	[sflag:s4] =	ssyncadd.s32 $0xFFFFF980  }
0x73: {  	[tilespmem:s9], [sflag:$0x2] =	stream.indirect.gather [hbm4b:s5+s6], $0x20, s6, s6, $0xb8;
	[tilespmem:$0x1AD00] =	vst v63  }
0x74: {  	_ =	swait.ge [sflag:s10], $0xD000  }
0x75: {  	[sflag:s10] =	ssyncset.done $0x0  }
0x76: {  	[sflag:s10] =	ssyncadd.s32 $0xFFFF3000  }
0x77: {  	[hbm4b:s12+s2] =	stream.linear.scatter [tilespmem:s7], [sflag:$0x3], $0xD000, $0x38;
	[tilespmem:$0x1AD00] =	vst v63  }
0x78: {  	_ =	swait.ge [sflag:s11], $0xD000  }
0x79: {  	[sflag:s11] =	ssyncset.done $0x0  }
0x7a: {  	[sflag:s11] =	ssyncadd.s32 $0xFFFF3000  }
0x7b: {  	[tilespmem:s2], [sflag:$0x5] =	stream.linear.gather [hbm4b:s13+s2], $0x680, $0x38;
	[tilespmem:$0x1AD00] =	vst v63  }
0x7c: {  	_ =	swait.ge [sflag:s4], $0x680  }
0x7d: {  	[sflag:s4] =	ssyncset.done $0x0  }
0x7e: {  	[sflag:s4] =	ssyncadd.s32 $0xFFFFF980  }
0x7f: {  	[tilespmem:s7], [sflag:$0x1] =	stream.indirect.gather [hbm4b:s5+s6], $0x20, s2, s6, $0xb8;
	[tilespmem:$0x1AD00] =	vst v63  }
0x80: {  	_ =	swait.ge [sflag:s14], $0xD000  }
0x81: {  	[sflag:s14] =	ssyncset.done $0x0  }
0x82: {  	[sflag:s14] =	ssyncadd.s32 $0xFFFF3000  }
0x83: {  	[hbm4b:s15+s2] =	stream.linear.scatter [tilespmem:s9], [sflag:$0x4], $0xD000, $0x38;
	[tilespmem:$0x1AD00] =	vst v63  }
0x84: {  	_ =	swait.ge [sflag:s16], $0xD000  }
0x85: {  	[sflag:s16] =	ssyncset.done $0x0  }
0x86: {  	[sflag:s16] =	ssyncadd.s32 $0xFFFF3000  }
0x87: {  	[tilespmem:s6], [sflag:$0x5] =	stream.linear.gather [hbm4b:s17+s2], $0x680, $0x38;
	[tilespmem:$0x1AD00] =	vst v63  }
0x88: {  	_ =	swait.ge [sflag:s4], $0x680  }
0x89: {  	[sflag:s4] =	ssyncset.done $0x0  }
0x8a: {  	[sflag:s4] =	ssyncadd.s32 $0xFFFFF980  }
0x8b: {  	[tilespmem:s9], [sflag:$0x2] =	stream.indirect.gather [hbm4b:s5+s6], $0x20, s6, s6, $0xb8;
	[tilespmem:$0x1AD00] =	vst v63  }
0x8c: {  	_ =	swait.ge [sflag:s10], $0xD000  }
0x8d: {  	[sflag:s10] =	ssyncset.done $0x0  }
0x8e: {  	[sflag:s10] =	ssyncadd.s32 $0xFFFF3000  }
0x8f: {  	[hbm4b:s18+s2] =	stream.linear.scatter [tilespmem:s7], [sflag:$0x3], $0xD000, $0x38;
	[tilespmem:$0x1AD00] =	vst v63  }
0x90: {  	_ =	swait.ge [sflag:s11], $0xD000  }
0x91: {  	[sflag:s11] =	ssyncset.done $0x0  }
0x92: {  	[sflag:s11] =	ssyncadd.s32 $0xFFFF3000  }
0x93: {  	[tilespmem:s2], [sflag:$0x5] =	stream.linear.gather [hbm4b:s19+s2], $0x680, $0x38;
	[tilespmem:$0x1AD00] =	vst v63  }
0x94: {  	_ =	swait.ge [sflag:s4], $0x680  }
0x95: {  	[sflag:s4] =	ssyncset.done $0x0  }
0x96: {  	[sflag:s4] =	ssyncadd.s32 $0xFFFFF980  }
0x97: {  	[tilespmem:s7], [sflag:$0x1] =	stream.indirect.gather [hbm4b:s5+s6], $0x20, s2, s6, $0xb8;
	[tilespmem:$0x1AD00] =	vst v63  }
0x98: {  	_ =	swait.ge [sflag:s14], $0xD000  }
0x99: {  	[sflag:s14] =	ssyncset.done $0x0  }
0x9a: {  	[sflag:s14] =	ssyncadd.s32 $0xFFFF3000  }
0x9b: {  	[hbm4b:s20+s2] =	stream.linear.scatter [tilespmem:s9], [sflag:$0x4], $0xD000, $0x38;
	[tilespmem:$0x1AD00] =	vst v63  }
0x9c: {  	_ =	swait.ge [sflag:s16], $0xD000  }
0x9d: {  	[sflag:s16] =	ssyncset.done $0x0  }
0x9e: {  	[sflag:s16] =	ssyncadd.s32 $0xFFFF3000  }
0x9f: {  	[tilespmem:s6], [sflag:$0x5] =	stream.linear.gather [hbm4b:s21+s2], $0x680, $0x38;
	[tilespmem:$0x1AD00] =	vst v63  }
0xa0: {  	_ =	swait.ge [sflag:s4], $0x680  }
0xa1: {  	[sflag:s4] =	ssyncset.done $0x0  }
0xa2: {  	[sflag:s4] =	ssyncadd.s32 $0xFFFFF980  }
0xa3: {  	[tilespmem:s9], [sflag:$0x2] =	stream.indirect.gather [hbm4b:s5+s6], $0x20, s6, s6, $0xb8;
	[tilespmem:$0x1AD00] =	vst v63  }
0xa4: {  	_ =	swait.ge [sflag:s10], $0xD000  }
0xa5: {  	[sflag:s10] =	ssyncset.done $0x0  }
0xa6: {  	[sflag:s10] =	ssyncadd.s32 $0xFFFF3000  }
0xa7: {  	[hbm4b:s22+s2] =	stream.linear.scatter [tilespmem:s7], [sflag:$0x3], $0xD000, $0x38;
	[tilespmem:$0x1AD00] =	vst v63  }
0xa8: {  	_ =	swait.ge [sflag:s11], $0xD000  }
0xa9: {  	[sflag:s11] =	ssyncset.done $0x0  }
0xaa: {  	[sflag:s11] =	ssyncadd.s32 $0xFFFF3000  }
0xab: {  	[tilespmem:s2], [sflag:$0x5] =	stream.linear.gather [hbm4b:s23+s2], $0x680, $0x38;
	[tilespmem:$0x1AD00] =	vst v63  }
0xac: {  	_ =	swait.ge [sflag:s4], $0x680  }
0xad: {  	[sflag:s4] =	ssyncset.done $0x0  }
0xae: {  	[sflag:s4] =	ssyncadd.s32 $0xFFFFF980  }
0xaf: {  	[tilespmem:s7], [sflag:$0x1] =	stream.indirect.gather [hbm4b:s5+s6], $0x20, s2, s6, $0xb8;
	[tilespmem:$0x1AD00] =	vst v63  }
0xb0: {  	_ =	swait.ge [sflag:s14], $0xD000  }
0xb1: {  	[sflag:s14] =	ssyncset.done $0x0  }
0xb2: {  	[sflag:s14] =	ssyncadd.s32 $0xFFFF3000  }
0xb3: {  	[hbm4b:s24+s2] =	stream.linear.scatter [tilespmem:s9], [sflag:$0x4], $0xD000, $0x38;
	[tilespmem:$0x1AD00] =	vst v63  }
0xb4: {  	_ =	swait.ge [sflag:s16], $0xD000  }
0xb5: {  	[sflag:s16] =	ssyncset.done $0x0  }
0xb6: {  	[sflag:s16] =	ssyncadd.s32 $0xFFFF3000  }
0xb7: {  	[tilespmem:s6], [sflag:$0x5] =	stream.linear.gather [hbm4b:s25+s2], $0x680, $0x38;
	[tilespmem:$0x1AD00] =	vst v63  }
0xb8: {  	_ =	swait.ge [sflag:s4], $0x680  }
0xb9: {  	[sflag:s4] =	ssyncset.done $0x0  }
0xba: {  	[sflag:s4] =	ssyncadd.s32 $0xFFFFF980  }
0xbb: {  	[tilespmem:s9], [sflag:$0x2] =	stream.indirect.gather [hbm4b:s5+s6], $0x20, s6, s6, $0xb8;
	[tilespmem:$0x1AD00] =	vst v63  }
0xbc: {  	_ =	swait.ge [sflag:s10], $0xD000  }
0xbd: {  	[sflag:s10] =	ssyncset.done $0x0  }
0xbe: {  	[sflag:s10] =	ssyncadd.s32 $0xFFFF3000  }
0xbf: {  	[hbm4b:s26+s2] =	stream.linear.scatter [tilespmem:s7], [sflag:$0x3], $0xD000, $0x38;
	[tilespmem:$0x1AD00] =	vst v63  }
0xc0: {  	_ =	swait.ge [sflag:s14], $0xD000  }
0xc1: {  	[sflag:s14] =	ssyncset.done $0x0  }
0xc2: {  	[sflag:s14] =	ssyncadd.s32 $0xFFFF3000  }
0xc3: {  	[hbm4b:s28+s2] =	stream.linear.scatter [tilespmem:s9], [sflag:$0x4], $0xD000, $0x38;
	[tilespmem:$0x1AD00] =	vst v63  }
.Ltmp1:
0xc4: {  	_ =	swait.ge [sflag:s16], $0xD000;
	(pc) =	sbr.rel @p0 .LBB2_1-.Ltmp1, $4  }
0xc5: {  	[sflag:s16] =	ssyncset.done $0x0  }
0xc6: {  	[sflag:s16] =	ssyncadd.s32 $0xFFFF3000  }
0xc7: {  	_ =	swait.ge [sflag:s11], $0xD000  }
0xc8: {  	[sflag:s11] =	ssyncset.done $0x0  }
.LBB2_2:
0xc9: {  	[sflag:s11] =	ssyncadd.s32 $0xFFFF3000  }
0xca: {  	_ =	sfence.sel $0x180000  }
0xcb: {  	[bflag:$0x0] =	sbarrier.arrive $0xFFFF  }
0xcc: {  	p0 =	sne.s32 s0, $0x0;
	_ =	strace $0x90000047  }
0xcd: {  	s0 =	sadd.s32 @!p0 $0x100000, s1;
	[bflag:$0x2] =	sbarrier.arrive $0xFFFF  }
0xce: {  	[sflag:s0] =	ssyncadd.tile.s32 @!p0 $0x1;
	_ =	shalt  }
.Lfunc_end2:
_tile_overlayer_lowered:
.L_overlay_start_2:
0xcf: {  	(tag) =	ssettag $0x2  }
0xd0: {  	s0 =	rddreg [dreg:$0x0];
	s2 =	stileid.u32  }
0xd1: {  	s1 =	rddreg [dreg:$0x1];
	p0 =	sne.s32 s2, $0x0  }
0xd2: {  	s3 =	rddreg [dreg:$0x2];
	[bflag:$0x3] =	sbarrier.arrive $0xFFFF;
	s2 =	simm.s32 @!p0 $0x1C05  }
0xd3: {  	[timem:s3], [sflag:s2] =	dma.local @!p0 [hbm:s0], s1  }
0xd4: {  	s0 =	simm.s32 @!p0 $0x5  }
0xd5: {  	_ =	swait.ge @!p0 [sflag:s0], s1  }
0xd6: {  	s1 =	ssub.s32 @!p0 $0x0, s1;
	[sflag:s0] =	ssyncset.done @!p0 $0x0  }
0xd7: {  	[sflag:s0] =	ssyncadd.s32 @!p0 s1  }
0xd8: {  	[bflag:$0x3] =	sbarrier.arrive $0xFFFF  }
0xd9: {  	_ =	shalt  }

</sc_bundles>
